<compile_context>
chip_gen: v7x
topology: tpu7x:2x2x1
jax: 0.10.2.dev20260603
libtpu: 0.0.44.dev20260713+nightly
codegen_flags: <defaults>
</compile_context>

<pallas_src>
import jax
import jax.numpy as jnp
from jax import lax
from jax.experimental import pallas as pl
from jax.experimental.pallas import tpu as pltpu
from jax.experimental.pallas import tpu_sc as plsc

_NC = 2
_NS = 16
_NW = _NC * _NS
_LANES = 16

_ROWS = 50000
_COLS = 256
_NIDX = 20000
_TRIG = 64

_SEG = 1568
_MASK_PAD = _NW * _SEG

_TC_SEG = 6272


_SUB_CHUNKS = 10
_CHUNK = 128
_NIDX_PAD = _NS * _SUB_CHUNKS * _CHUNK
_SUB_SEG = _MASK_PAD // _NS
_HALF = _MASK_PAD // _NC


def _sc_mask_body(able_hbm, mask_hbm, idx2d, zeros_v, ones_v, smask):
    cid = lax.axis_index("c")
    sid = lax.axis_index("s")

    def fill_zeros(i, _):
        zeros_v[pl.ds(i * _LANES, _LANES)] = jnp.zeros((_LANES,), jnp.float32)
        return _

    lax.fori_loop(0, _SUB_SEG // _LANES, fill_zeros, None)

    def fill_ones(i, _):
        ones_v[pl.ds(i * _LANES, _LANES)] = jnp.ones((_LANES,), jnp.float32)
        return _

    lax.fori_loop(0, _CHUNK // _LANES, fill_ones, None)

    pltpu.sync_copy(zeros_v, smask.at[pl.ds(sid * _SUB_SEG, _SUB_SEG)])

    pltpu.sync_copy(able_hbm.at[sid], idx2d)

    plsc.subcore_barrier()

    for j in range(_SUB_CHUNKS):
        pltpu.sync_copy(ones_v, smask.at[idx2d.at[j]], add=True)

    plsc.subcore_barrier()

    off = cid * _HALF + sid * (_HALF // _NS)
    stage = zeros_v.at[pl.ds(0, _HALF // _NS)]
    pltpu.sync_copy(smask.at[pl.ds(off, _HALF // _NS)], stage)
    pltpu.sync_copy(stage, mask_hbm.at[pl.ds(off, _HALF // _NS)])


def _sc_mask(able3d):
    mesh = plsc.VectorSubcoreMesh(core_axis_name="c", subcore_axis_name="s")
    return pl.kernel(
        _sc_mask_body,
        out_type=jax.ShapeDtypeStruct((_MASK_PAD,), jnp.float32),
        mesh=mesh,
        scratch_types=[
            pltpu.VMEM((_SUB_CHUNKS, _CHUNK), jnp.int32),
            pltpu.VMEM((_SUB_SEG,), jnp.float32),
            pltpu.VMEM((_CHUNK,), jnp.float32),
            pltpu.VMEM_SHARED((_MASK_PAD,), jnp.float32),
        ],
        compiler_params=pltpu.CompilerParams(needs_layout_passes=False),
    )(able3d)


def _tc_body(x_ref, m_ref, t_ref, o_ref):
    xb = x_ref[...]
    mb = m_ref[...]
    tb = t_ref[...]
    o_ref[...] = jnp.minimum(xb + jnp.minimum(mb, 1.0) * tb, 1.0)


def _tc_apply(x, mask2, trow):
    grid = (_ROWS + _TC_SEG - 1) // _TC_SEG
    return pl.pallas_call(
        _tc_body,
        grid=(grid,),
        in_specs=[
            pl.BlockSpec((_TC_SEG, _COLS), lambda i: (i, 0)),
            pl.BlockSpec((_TC_SEG, 1), lambda i: (i, 0)),
            pl.BlockSpec((1, _COLS), lambda i: (0, 0)),
        ],
        out_specs=pl.BlockSpec((_TC_SEG, _COLS), lambda i: (i, 0)),
        out_shape=jax.ShapeDtypeStruct((_ROWS, _COLS), jnp.float32),
    )(x, mask2, trow)


def kernel(x, able, trigger):
    able = able.astype(jnp.int32)
    able_p = jnp.concatenate(
        [able, jnp.broadcast_to(able[:1], (_NIDX_PAD - _NIDX,))]
    )
    able3d = able_p.reshape(_NS, _SUB_CHUNKS, _CHUNK)
    mask = _sc_mask(able3d)
    mask2 = mask.reshape(_MASK_PAD, 1)
    trow = jnp.concatenate(
        [trigger.astype(jnp.float32), jnp.zeros((_COLS - _TRIG,), jnp.float32)]
    ).reshape(1, _COLS)
    return _tc_apply(x, mask2, trow)

# --- scband reference (transcript-rebuilt; emitter-appended) ---
"""Pipeline reference for scband-trigger-selected-node-model-14748917694586 (READ-ONLY COPY).

The authoritative reference and input builder live on the scoring server;
editing this copy changes nothing except your own understanding.
"""

import jax, jax.numpy as jnp
import numpy as np

TRIGGER_RANGE = (0, 64)


def setup_inputs(seed: int = 0) -> dict:
    key = jax.random.key(seed)
    k1, k2 = jax.random.split(key, 2)
    x = jax.random.uniform(k1, (50000, 256), dtype=jnp.float32)
    able = jax.random.randint(k2, (20000,), 0, 50000)
    # trigger is a learned/fixed perturbation over the feature slice
    trigger = jnp.full((TRIGGER_RANGE[1] - TRIGGER_RANGE[0],), 0.25, dtype=jnp.float32)
    return {"x": x, "able": able, "trigger": trigger}


def reference(x, able, trigger):
    s, e = TRIGGER_RANGE
    # data.x[able, s:e] += trigger  (gather + add)
    sl = x[able, s:e] + trigger
    # clamp-at-1: 1 - relu(1 - v)
    sl = 1.0 - jax.nn.relu(1.0 - sl)
    # scatter-overwrite back into the memory tensor
    x_out = x.at[able, s:e].set(sl)
    return x_out

if __name__ == "__main__":
    import jax
    _d = setup_inputs()
    print(jax.jit(kernel)(*tuple(_d.values())))

</pallas_src>

<mosaic_0001>
#map = affine_map<(d0, d1) -> (0, 0, 0)>
#map1 = affine_map<(d0, d1) -> (0)>
module attributes {stable_mosaic.version = 14 : i64} {
  func.func @_sc_mask_body(%arg0: i32, %arg1: i32, %arg2: memref<16x10x128xi32, #tpu.memory_space<hbm>>, %arg3: memref<50176xf32, #tpu.memory_space<hbm>>, %arg4: memref<10x128xi32, #tpu.memory_space<vmem>>, %arg5: memref<3136xf32, #tpu.memory_space<vmem>>, %arg6: memref<128xf32, #tpu.memory_space<vmem>>, %arg7: memref<50176xf32, #tpu.memory_space<vmem_shared>>) attributes {dimension_semantics = [#tpu.dimension_semantics<core_parallel>, #tpu.dimension_semantics<subcore_parallel>], iteration_bounds = array<i64: 2, 16>, scalar_prefetch = 0 : i64, scratch_operands = 4 : i64, tpu.core_type = #tpu.core_type<sc_vector_subcore>, window_params = [{transform_indices = #map}, {transform_indices = #map1}]} {
    %scan3A = arith.constant 0 : i32
    %scan3A_0 = arith.constant 196 : i32
    %scan3A_1 = arith.addi %scan3A, %scan3A_0 : i32
    %scan3A_2 = arith.constant 1 : i32
    scf.for %scan3A_24 = %scan3A to %scan3A_1 step %scan3A_2  : i32 {
      %broadcast_in_dim3A = arith.constant 0.000000e+00 : f32
      %broadcast_in_dim3A_25 = vector.broadcast %broadcast_in_dim3A : f32 to vector<16xf32>
      %mul3A_26 = arith.constant 16 : i32
      %mul3A_27 = arith.muli %scan3A_24, %mul3A_26 : i32
      %swap3A = arith.index_cast %mul3A_27 : i32 to index
      %swap3A_28 = tpu.vector_load %arg5[%swap3A] {strides = array<i32>} : memref<3136xf32, #tpu.memory_space<vmem>>, vector<16xf32>,
      tpu.vector_store %arg5[%swap3A], %broadcast_in_dim3A_25 {strides = array<i32>} : memref<3136xf32, #tpu.memory_space<vmem>>, vector<16xf32>,
    }
    %scan3A_3 = arith.constant 196 : i32
    %scan3A_4 = arith.constant 0 : i32
    %scan3A_5 = arith.constant 8 : i32
    %scan3A_6 = arith.addi %scan3A_4, %scan3A_5 : i32
    %scan3A_7 = arith.constant 1 : i32
    scf.for %scan3A_24 = %scan3A_4 to %scan3A_6 step %scan3A_7  : i32 {
      %broadcast_in_dim3A = arith.constant 1.000000e+00 : f32
      %broadcast_in_dim3A_25 = vector.broadcast %broadcast_in_dim3A : f32 to vector<16xf32>
      %mul3A_26 = arith.constant 16 : i32
      %mul3A_27 = arith.muli %scan3A_24, %mul3A_26 : i32
      %swap3A = arith.index_cast %mul3A_27 : i32 to index
      %swap3A_28 = tpu.vector_load %arg6[%swap3A] {strides = array<i32>} : memref<128xf32, #tpu.memory_space<vmem>>, vector<16xf32>,
      tpu.vector_store %arg6[%swap3A], %broadcast_in_dim3A_25 {strides = array<i32>} : memref<128xf32, #tpu.memory_space<vmem>>, vector<16xf32>,
    }
    %scan3A_8 = arith.constant 8 : i32
    %mul3A = arith.constant 3136 : i32
    %mul3A_9 = arith.muli %arg1, %mul3A : i32
    "tpu.region"() ({
      %run_scoped3A_24 = tpu.sem_alloc : memref<!tpu.dma_semaphore, #tpu.memory_space<semaphore_mem>>
      %dma_start3A = tpu.memref_slice %arg7[%mul3A_9] : memref<50176xf32, #tpu.memory_space<vmem_shared>> -> memref<3136xf32, #tpu.memory_space<vmem_shared>>
      %dma_start3A_25 = tpu.memref_slice %arg7[%mul3A_9] : memref<50176xf32, #tpu.memory_space<vmem_shared>> -> memref<3136xf32, #tpu.memory_space<vmem_shared>>
      tpu.enqueue_dma source(%arg5 : memref<3136xf32, #tpu.memory_space<vmem>>) target(%dma_start3A_25 : memref<3136xf32, #tpu.memory_space<vmem_shared>>) target_semaphore(%run_scoped3A_24 : memref<!tpu.dma_semaphore, #tpu.memory_space<semaphore_mem>>)
      %dma_wait3A = tpu.memref_slice %arg7[%mul3A_9] : memref<50176xf32, #tpu.memory_space<vmem_shared>> -> memref<3136xf32, #tpu.memory_space<vmem_shared>>
      %dma_wait3A_26 = tpu.memref_slice %arg7[%mul3A_9] : memref<50176xf32, #tpu.memory_space<vmem_shared>> -> memref<3136xf32, #tpu.memory_space<vmem_shared>>
      tpu.wait_dma2 semaphore(%run_scoped3A_24 : memref<!tpu.dma_semaphore, #tpu.memory_space<semaphore_mem>>) src(%arg5 : memref<3136xf32, #tpu.memory_space<vmem>>) dst(%dma_wait3A_26 : memref<3136xf32, #tpu.memory_space<vmem_shared>>)
      tpu.yield
    }) : () -> ()
    "tpu.region"() ({
      %run_scoped3A_24 = tpu.sem_alloc : memref<!tpu.dma_semaphore, #tpu.memory_space<semaphore_mem>>
      %dma_start3A = arith.constant 0 : i32
      %dma_start3A_25 = arith.constant 0 : i32
      %dma_start3A_26 = tpu.memref_slice %arg2[%arg1, %dma_start3A, %dma_start3A_25] : memref<16x10x128xi32, #tpu.memory_space<hbm>> -> memref<1x10x128xi32, #tpu.memory_space<hbm>>
      %dma_start3A_27 = tpu.memref_squeeze %dma_start3A_26 : memref<1x10x128xi32, #tpu.memory_space<hbm>> -> memref<10x128xi32, #tpu.memory_space<hbm>>
      %dma_start3A_28 = arith.constant 0 : i32
      %dma_start3A_29 = arith.constant 0 : i32
      %dma_start3A_30 = tpu.memref_slice %arg2[%arg1, %dma_start3A_28, %dma_start3A_29] : memref<16x10x128xi32, #tpu.memory_space<hbm>> -> memref<1x10x128xi32, #tpu.memory_space<hbm>>
      %dma_start3A_31 = tpu.memref_squeeze %dma_start3A_30 : memref<1x10x128xi32, #tpu.memory_space<hbm>> -> memref<10x128xi32, #tpu.memory_space<hbm>>
      tpu.enqueue_dma source(%dma_start3A_31 : memref<10x128xi32, #tpu.memory_space<hbm>>) target(%arg4 : memref<10x128xi32, #tpu.memory_space<vmem>>) target_semaphore(%run_scoped3A_24 : memref<!tpu.dma_semaphore, #tpu.memory_space<semaphore_mem>>)
      %dma_wait3A = arith.constant 0 : i32
      %dma_wait3A_32 = arith.constant 0 : i32
      %dma_wait3A_33 = tpu.memref_slice %arg2[%arg1, %dma_wait3A, %dma_wait3A_32] : memref<16x10x128xi32, #tpu.memory_space<hbm>> -> memref<1x10x128xi32, #tpu.memory_space<hbm>>
      %dma_wait3A_34 = tpu.memref_squeeze %dma_wait3A_33 : memref<1x10x128xi32, #tpu.memory_space<hbm>> -> memref<10x128xi32, #tpu.memory_space<hbm>>
      %dma_wait3A_35 = arith.constant 0 : i32
      %dma_wait3A_36 = arith.constant 0 : i32
      %dma_wait3A_37 = tpu.memref_slice %arg2[%arg1, %dma_wait3A_35, %dma_wait3A_36] : memref<16x10x128xi32, #tpu.memory_space<hbm>> -> memref<1x10x128xi32, #tpu.memory_space<hbm>>
      %dma_wait3A_38 = tpu.memref_squeeze %dma_wait3A_37 : memref<1x10x128xi32, #tpu.memory_space<hbm>> -> memref<10x128xi32, #tpu.memory_space<hbm>>
      tpu.wait_dma2 semaphore(%run_scoped3A_24 : memref<!tpu.dma_semaphore, #tpu.memory_space<semaphore_mem>>) src(%dma_wait3A_38 : memref<10x128xi32, #tpu.memory_space<hbm>>) dst(%arg4 : memref<10x128xi32, #tpu.memory_space<vmem>>)
      tpu.yield
    }) : () -> ()
    %barrier3A = arith.constant 0 : index
    tpu.barrier barrier_id(%barrier3A)
    %run_scoped3A = arith.constant 0 : i32
    "tpu.region"() ({
      %run_scoped3A_24 = tpu.sem_alloc : memref<!tpu.dma_semaphore, #tpu.memory_space<semaphore_mem>>
      %dma_start3A = arith.constant 0 : i32
      %dma_start3A_25 = tpu.memref_slice %arg4[%run_scoped3A, %dma_start3A] : memref<10x128xi32, #tpu.memory_space<vmem>> -> memref<1x128xi32, #tpu.memory_space<vmem>>
      %dma_start3A_26 = tpu.memref_squeeze %dma_start3A_25 : memref<1x128xi32, #tpu.memory_space<vmem>> -> memref<128xi32, #tpu.memory_space<vmem>>
      %dma_start3A_27 = arith.constant 0 : i32
      %dma_start3A_28 = tpu.memref_slice %arg7[%dma_start3A_27] : memref<50176xf32, #tpu.memory_space<vmem_shared>> -> memref<50176xf32, #tpu.memory_space<vmem_shared>>
      tpu.enqueue_indirect_dma source(%arg6 : memref<128xf32, #tpu.memory_space<vmem>>) target(%dma_start3A_28 : memref<50176xf32, #tpu.memory_space<vmem_shared>>) offsets(%dma_start3A_26 : memref<128xi32, #tpu.memory_space<vmem>>) semaphore(%run_scoped3A_24 : memref<!tpu.dma_semaphore, #tpu.memory_space<semaphore_mem>>) {add = true}
      %dma_wait3A = arith.constant 0 : i32
      %dma_wait3A_29 = tpu.memref_slice %arg4[%run_scoped3A, %dma_wait3A] : memref<10x128xi32, #tpu.memory_space<vmem>> -> memref<1x128xi32, #tpu.memory_space<vmem>>
      %dma_wait3A_30 = tpu.memref_squeeze %dma_wait3A_29 : memref<1x128xi32, #tpu.memory_space<vmem>> -> memref<128xi32, #tpu.memory_space<vmem>>
      %dma_wait3A_31 = arith.constant 0 : i32
      %dma_wait3A_32 = tpu.memref_slice %arg7[%dma_wait3A_31] : memref<50176xf32, #tpu.memory_space<vmem_shared>> -> memref<50176xf32, #tpu.memory_space<vmem_shared>>
      tpu.wait_indirect_dma semaphore(%run_scoped3A_24 : memref<!tpu.dma_semaphore, #tpu.memory_space<semaphore_mem>>) src(%arg6 : memref<128xf32, #tpu.memory_space<vmem>>) dst(%dma_wait3A_32 : memref<50176xf32, #tpu.memory_space<vmem_shared>>)
      tpu.yield
    }) : () -> ()
    %run_scoped3A_10 = arith.constant 1 : i32
    "tpu.region"() ({
      %run_scoped3A_24 = tpu.sem_alloc : memref<!tpu.dma_semaphore, #tpu.memory_space<semaphore_mem>>
      %dma_start3A = arith.constant 0 : i32
      %dma_start3A_25 = tpu.memref_slice %arg4[%run_scoped3A_10, %dma_start3A] : memref<10x128xi32, #tpu.memory_space<vmem>> -> memref<1x128xi32, #tpu.memory_space<vmem>>
      %dma_start3A_26 = tpu.memref_squeeze %dma_start3A_25 : memref<1x128xi32, #tpu.memory_space<vmem>> -> memref<128xi32, #tpu.memory_space<vmem>>
      %dma_start3A_27 = arith.constant 0 : i32
      %dma_start3A_28 = tpu.memref_slice %arg7[%dma_start3A_27] : memref<50176xf32, #tpu.memory_space<vmem_shared>> -> memref<50176xf32, #tpu.memory_space<vmem_shared>>
      tpu.enqueue_indirect_dma source(%arg6 : memref<128xf32, #tpu.memory_space<vmem>>) target(%dma_start3A_28 : memref<50176xf32, #tpu.memory_space<vmem_shared>>) offsets(%dma_start3A_26 : memref<128xi32, #tpu.memory_space<vmem>>) semaphore(%run_scoped3A_24 : memref<!tpu.dma_semaphore, #tpu.memory_space<semaphore_mem>>) {add = true}
      %dma_wait3A = arith.constant 0 : i32
      %dma_wait3A_29 = tpu.memref_slice %arg4[%run_scoped3A_10, %dma_wait3A] : memref<10x128xi32, #tpu.memory_space<vmem>> -> memref<1x128xi32, #tpu.memory_space<vmem>>
      %dma_wait3A_30 = tpu.memref_squeeze %dma_wait3A_29 : memref<1x128xi32, #tpu.memory_space<vmem>> -> memref<128xi32, #tpu.memory_space<vmem>>
      %dma_wait3A_31 = arith.constant 0 : i32
      %dma_wait3A_32 = tpu.memref_slice %arg7[%dma_wait3A_31] : memref<50176xf32, #tpu.memory_space<vmem_shared>> -> memref<50176xf32, #tpu.memory_space<vmem_shared>>
      tpu.wait_indirect_dma semaphore(%run_scoped3A_24 : memref<!tpu.dma_semaphore, #tpu.memory_space<semaphore_mem>>) src(%arg6 : memref<128xf32, #tpu.memory_space<vmem>>) dst(%dma_wait3A_32 : memref<50176xf32, #tpu.memory_space<vmem_shared>>)
      tpu.yield
    }) : () -> ()
    %run_scoped3A_11 = arith.constant 2 : i32
    "tpu.region"() ({
      %run_scoped3A_24 = tpu.sem_alloc : memref<!tpu.dma_semaphore, #tpu.memory_space<semaphore_mem>>
      %dma_start3A = arith.constant 0 : i32
      %dma_start3A_25 = tpu.memref_slice %arg4[%run_scoped3A_11, %dma_start3A] : memref<10x128xi32, #tpu.memory_space<vmem>> -> memref<1x128xi32, #tpu.memory_space<vmem>>
      %dma_start3A_26 = tpu.memref_squeeze %dma_start3A_25 : memref<1x128xi32, #tpu.memory_space<vmem>> -> memref<128xi32, #tpu.memory_space<vmem>>
      %dma_start3A_27 = arith.constant 0 : i32
      %dma_start3A_28 = tpu.memref_slice %arg7[%dma_start3A_27] : memref<50176xf32, #tpu.memory_space<vmem_shared>> -> memref<50176xf32, #tpu.memory_space<vmem_shared>>
      tpu.enqueue_indirect_dma source(%arg6 : memref<128xf32, #tpu.memory_space<vmem>>) target(%dma_start3A_28 : memref<50176xf32, #tpu.memory_space<vmem_shared>>) offsets(%dma_start3A_26 : memref<128xi32, #tpu.memory_space<vmem>>) semaphore(%run_scoped3A_24 : memref<!tpu.dma_semaphore, #tpu.memory_space<semaphore_mem>>) {add = true}
      %dma_wait3A = arith.constant 0 : i32
      %dma_wait3A_29 = tpu.memref_slice %arg4[%run_scoped3A_11, %dma_wait3A] : memref<10x128xi32, #tpu.memory_space<vmem>> -> memref<1x128xi32, #tpu.memory_space<vmem>>
      %dma_wait3A_30 = tpu.memref_squeeze %dma_wait3A_29 : memref<1x128xi32, #tpu.memory_space<vmem>> -> memref<128xi32, #tpu.memory_space<vmem>>
      %dma_wait3A_31 = arith.constant 0 : i32
      %dma_wait3A_32 = tpu.memref_slice %arg7[%dma_wait3A_31] : memref<50176xf32, #tpu.memory_space<vmem_shared>> -> memref<50176xf32, #tpu.memory_space<vmem_shared>>
      tpu.wait_indirect_dma semaphore(%run_scoped3A_24 : memref<!tpu.dma_semaphore, #tpu.memory_space<semaphore_mem>>) src(%arg6 : memref<128xf32, #tpu.memory_space<vmem>>) dst(%dma_wait3A_32 : memref<50176xf32, #tpu.memory_space<vmem_shared>>)
      tpu.yield
    }) : () -> ()
    %run_scoped3A_12 = arith.constant 3 : i32
    "tpu.region"() ({
      %run_scoped3A_24 = tpu.sem_alloc : memref<!tpu.dma_semaphore, #tpu.memory_space<semaphore_mem>>
      %dma_start3A = arith.constant 0 : i32
      %dma_start3A_25 = tpu.memref_slice %arg4[%run_scoped3A_12, %dma_start3A] : memref<10x128xi32, #tpu.memory_space<vmem>> -> memref<1x128xi32, #tpu.memory_space<vmem>>
      %dma_start3A_26 = tpu.memref_squeeze %dma_start3A_25 : memref<1x128xi32, #tpu.memory_space<vmem>> -> memref<128xi32, #tpu.memory_space<vmem>>
      %dma_start3A_27 = arith.constant 0 : i32
      %dma_start3A_28 = tpu.memref_slice %arg7[%dma_start3A_27] : memref<50176xf32, #tpu.memory_space<vmem_shared>> -> memref<50176xf32, #tpu.memory_space<vmem_shared>>
      tpu.enqueue_indirect_dma source(%arg6 : memref<128xf32, #tpu.memory_space<vmem>>) target(%dma_start3A_28 : memref<50176xf32, #tpu.memory_space<vmem_shared>>) offsets(%dma_start3A_26 : memref<128xi32, #tpu.memory_space<vmem>>) semaphore(%run_scoped3A_24 : memref<!tpu.dma_semaphore, #tpu.memory_space<semaphore_mem>>) {add = true}
      %dma_wait3A = arith.constant 0 : i32
      %dma_wait3A_29 = tpu.memref_slice %arg4[%run_scoped3A_12, %dma_wait3A] : memref<10x128xi32, #tpu.memory_space<vmem>> -> memref<1x128xi32, #tpu.memory_space<vmem>>
      %dma_wait3A_30 = tpu.memref_squeeze %dma_wait3A_29 : memref<1x128xi32, #tpu.memory_space<vmem>> -> memref<128xi32, #tpu.memory_space<vmem>>
      %dma_wait3A_31 = arith.constant 0 : i32
      %dma_wait3A_32 = tpu.memref_slice %arg7[%dma_wait3A_31] : memref<50176xf32, #tpu.memory_space<vmem_shared>> -> memref<50176xf32, #tpu.memory_space<vmem_shared>>
      tpu.wait_indirect_dma semaphore(%run_scoped3A_24 : memref<!tpu.dma_semaphore, #tpu.memory_space<semaphore_mem>>) src(%arg6 : memref<128xf32, #tpu.memory_space<vmem>>) dst(%dma_wait3A_32 : memref<50176xf32, #tpu.memory_space<vmem_shared>>)
      tpu.yield
    }) : () -> ()
    %run_scoped3A_13 = arith.constant 4 : i32
    "tpu.region"() ({
      %run_scoped3A_24 = tpu.sem_alloc : memref<!tpu.dma_semaphore, #tpu.memory_space<semaphore_mem>>
      %dma_start3A = arith.constant 0 : i32
      %dma_start3A_25 = tpu.memref_slice %arg4[%run_scoped3A_13, %dma_start3A] : memref<10x128xi32, #tpu.memory_space<vmem>> -> memref<1x128xi32, #tpu.memory_space<vmem>>
      %dma_start3A_26 = tpu.memref_squeeze %dma_start3A_25 : memref<1x128xi32, #tpu.memory_space<vmem>> -> memref<128xi32, #tpu.memory_space<vmem>>
      %dma_start3A_27 = arith.constant 0 : i32
      %dma_start3A_28 = tpu.memref_slice %arg7[%dma_start3A_27] : memref<50176xf32, #tpu.memory_space<vmem_shared>> -> memref<50176xf32, #tpu.memory_space<vmem_shared>>
      tpu.enqueue_indirect_dma source(%arg6 : memref<128xf32, #tpu.memory_space<vmem>>) target(%dma_start3A_28 : memref<50176xf32, #tpu.memory_space<vmem_shared>>) offsets(%dma_start3A_26 : memref<128xi32, #tpu.memory_space<vmem>>) semaphore(%run_scoped3A_24 : memref<!tpu.dma_semaphore, #tpu.memory_space<semaphore_mem>>) {add = true}
      %dma_wait3A = arith.constant 0 : i32
      %dma_wait3A_29 = tpu.memref_slice %arg4[%run_scoped3A_13, %dma_wait3A] : memref<10x128xi32, #tpu.memory_space<vmem>> -> memref<1x128xi32, #tpu.memory_space<vmem>>
      %dma_wait3A_30 = tpu.memref_squeeze %dma_wait3A_29 : memref<1x128xi32, #tpu.memory_space<vmem>> -> memref<128xi32, #tpu.memory_space<vmem>>
      %dma_wait3A_31 = arith.constant 0 : i32
      %dma_wait3A_32 = tpu.memref_slice %arg7[%dma_wait3A_31] : memref<50176xf32, #tpu.memory_space<vmem_shared>> -> memref<50176xf32, #tpu.memory_space<vmem_shared>>
      tpu.wait_indirect_dma semaphore(%run_scoped3A_24 : memref<!tpu.dma_semaphore, #tpu.memory_space<semaphore_mem>>) src(%arg6 : memref<128xf32, #tpu.memory_space<vmem>>) dst(%dma_wait3A_32 : memref<50176xf32, #tpu.memory_space<vmem_shared>>)
      tpu.yield
    }) : () -> ()
    %run_scoped3A_14 = arith.constant 5 : i32
    "tpu.region"() ({
      %run_scoped3A_24 = tpu.sem_alloc : memref<!tpu.dma_semaphore, #tpu.memory_space<semaphore_mem>>
      %dma_start3A = arith.constant 0 : i32
      %dma_start3A_25 = tpu.memref_slice %arg4[%run_scoped3A_14, %dma_start3A] : memref<10x128xi32, #tpu.memory_space<vmem>> -> memref<1x128xi32, #tpu.memory_space<vmem>>
      %dma_start3A_26 = tpu.memref_squeeze %dma_start3A_25 : memref<1x128xi32, #tpu.memory_space<vmem>> -> memref<128xi32, #tpu.memory_space<vmem>>
      %dma_start3A_27 = arith.constant 0 : i32
      %dma_start3A_28 = tpu.memref_slice %arg7[%dma_start3A_27] : memref<50176xf32, #tpu.memory_space<vmem_shared>> -> memref<50176xf32, #tpu.memory_space<vmem_shared>>
      tpu.enqueue_indirect_dma source(%arg6 : memref<128xf32, #tpu.memory_space<vmem>>) target(%dma_start3A_28 : memref<50176xf32, #tpu.memory_space<vmem_shared>>) offsets(%dma_start3A_26 : memref<128xi32, #tpu.memory_space<vmem>>) semaphore(%run_scoped3A_24 : memref<!tpu.dma_semaphore, #tpu.memory_space<semaphore_mem>>) {add = true}
      %dma_wait3A = arith.constant 0 : i32
      %dma_wait3A_29 = tpu.memref_slice %arg4[%run_scoped3A_14, %dma_wait3A] : memref<10x128xi32, #tpu.memory_space<vmem>> -> memref<1x128xi32, #tpu.memory_space<vmem>>
      %dma_wait3A_30 = tpu.memref_squeeze %dma_wait3A_29 : memref<1x128xi32, #tpu.memory_space<vmem>> -> memref<128xi32, #tpu.memory_space<vmem>>
      %dma_wait3A_31 = arith.constant 0 : i32
      %dma_wait3A_32 = tpu.memref_slice %arg7[%dma_wait3A_31] : memref<50176xf32, #tpu.memory_space<vmem_shared>> -> memref<50176xf32, #tpu.memory_space<vmem_shared>>
      tpu.wait_indirect_dma semaphore(%run_scoped3A_24 : memref<!tpu.dma_semaphore, #tpu.memory_space<semaphore_mem>>) src(%arg6 : memref<128xf32, #tpu.memory_space<vmem>>) dst(%dma_wait3A_32 : memref<50176xf32, #tpu.memory_space<vmem_shared>>)
      tpu.yield
    }) : () -> ()
    %run_scoped3A_15 = arith.constant 6 : i32
    "tpu.region"() ({
      %run_scoped3A_24 = tpu.sem_alloc : memref<!tpu.dma_semaphore, #tpu.memory_space<semaphore_mem>>
      %dma_start3A = arith.constant 0 : i32
      %dma_start3A_25 = tpu.memref_slice %arg4[%run_scoped3A_15, %dma_start3A] : memref<10x128xi32, #tpu.memory_space<vmem>> -> memref<1x128xi32, #tpu.memory_space<vmem>>
      %dma_start3A_26 = tpu.memref_squeeze %dma_start3A_25 : memref<1x128xi32, #tpu.memory_space<vmem>> -> memref<128xi32, #tpu.memory_space<vmem>>
      %dma_start3A_27 = arith.constant 0 : i32
      %dma_start3A_28 = tpu.memref_slice %arg7[%dma_start3A_27] : memref<50176xf32, #tpu.memory_space<vmem_shared>> -> memref<50176xf32, #tpu.memory_space<vmem_shared>>
      tpu.enqueue_indirect_dma source(%arg6 : memref<128xf32, #tpu.memory_space<vmem>>) target(%dma_start3A_28 : memref<50176xf32, #tpu.memory_space<vmem_shared>>) offsets(%dma_start3A_26 : memref<128xi32, #tpu.memory_space<vmem>>) semaphore(%run_scoped3A_24 : memref<!tpu.dma_semaphore, #tpu.memory_space<semaphore_mem>>) {add = true}
      %dma_wait3A = arith.constant 0 : i32
      %dma_wait3A_29 = tpu.memref_slice %arg4[%run_scoped3A_15, %dma_wait3A] : memref<10x128xi32, #tpu.memory_space<vmem>> -> memref<1x128xi32, #tpu.memory_space<vmem>>
      %dma_wait3A_30 = tpu.memref_squeeze %dma_wait3A_29 : memref<1x128xi32, #tpu.memory_space<vmem>> -> memref<128xi32, #tpu.memory_space<vmem>>
      %dma_wait3A_31 = arith.constant 0 : i32
      %dma_wait3A_32 = tpu.memref_slice %arg7[%dma_wait3A_31] : memref<50176xf32, #tpu.memory_space<vmem_shared>> -> memref<50176xf32, #tpu.memory_space<vmem_shared>>
      tpu.wait_indirect_dma semaphore(%run_scoped3A_24 : memref<!tpu.dma_semaphore, #tpu.memory_space<semaphore_mem>>) src(%arg6 : memref<128xf32, #tpu.memory_space<vmem>>) dst(%dma_wait3A_32 : memref<50176xf32, #tpu.memory_space<vmem_shared>>)
      tpu.yield
    }) : () -> ()
    %run_scoped3A_16 = arith.constant 7 : i32
    "tpu.region"() ({
      %run_scoped3A_24 = tpu.sem_alloc : memref<!tpu.dma_semaphore, #tpu.memory_space<semaphore_mem>>
      %dma_start3A = arith.constant 0 : i32
      %dma_start3A_25 = tpu.memref_slice %arg4[%run_scoped3A_16, %dma_start3A] : memref<10x128xi32, #tpu.memory_space<vmem>> -> memref<1x128xi32, #tpu.memory_space<vmem>>
      %dma_start3A_26 = tpu.memref_squeeze %dma_start3A_25 : memref<1x128xi32, #tpu.memory_space<vmem>> -> memref<128xi32, #tpu.memory_space<vmem>>
      %dma_start3A_27 = arith.constant 0 : i32
      %dma_start3A_28 = tpu.memref_slice %arg7[%dma_start3A_27] : memref<50176xf32, #tpu.memory_space<vmem_shared>> -> memref<50176xf32, #tpu.memory_space<vmem_shared>>
      tpu.enqueue_indirect_dma source(%arg6 : memref<128xf32, #tpu.memory_space<vmem>>) target(%dma_start3A_28 : memref<50176xf32, #tpu.memory_space<vmem_shared>>) offsets(%dma_start3A_26 : memref<128xi32, #tpu.memory_space<vmem>>) semaphore(%run_scoped3A_24 : memref<!tpu.dma_semaphore, #tpu.memory_space<semaphore_mem>>) {add = true}
      %dma_wait3A = arith.constant 0 : i32
      %dma_wait3A_29 = tpu.memref_slice %arg4[%run_scoped3A_16, %dma_wait3A] : memref<10x128xi32, #tpu.memory_space<vmem>> -> memref<1x128xi32, #tpu.memory_space<vmem>>
      %dma_wait3A_30 = tpu.memref_squeeze %dma_wait3A_29 : memref<1x128xi32, #tpu.memory_space<vmem>> -> memref<128xi32, #tpu.memory_space<vmem>>
      %dma_wait3A_31 = arith.constant 0 : i32
      %dma_wait3A_32 = tpu.memref_slice %arg7[%dma_wait3A_31] : memref<50176xf32, #tpu.memory_space<vmem_shared>> -> memref<50176xf32, #tpu.memory_space<vmem_shared>>
      tpu.wait_indirect_dma semaphore(%run_scoped3A_24 : memref<!tpu.dma_semaphore, #tpu.memory_space<semaphore_mem>>) src(%arg6 : memref<128xf32, #tpu.memory_space<vmem>>) dst(%dma_wait3A_32 : memref<50176xf32, #tpu.memory_space<vmem_shared>>)
      tpu.yield
    }) : () -> ()
    %run_scoped3A_17 = arith.constant 8 : i32
    "tpu.region"() ({
      %run_scoped3A_24 = tpu.sem_alloc : memref<!tpu.dma_semaphore, #tpu.memory_space<semaphore_mem>>
      %dma_start3A = arith.constant 0 : i32
      %dma_start3A_25 = tpu.memref_slice %arg4[%run_scoped3A_17, %dma_start3A] : memref<10x128xi32, #tpu.memory_space<vmem>> -> memref<1x128xi32, #tpu.memory_space<vmem>>
      %dma_start3A_26 = tpu.memref_squeeze %dma_start3A_25 : memref<1x128xi32, #tpu.memory_space<vmem>> -> memref<128xi32, #tpu.memory_space<vmem>>
      %dma_start3A_27 = arith.constant 0 : i32
      %dma_start3A_28 = tpu.memref_slice %arg7[%dma_start3A_27] : memref<50176xf32, #tpu.memory_space<vmem_shared>> -> memref<50176xf32, #tpu.memory_space<vmem_shared>>
      tpu.enqueue_indirect_dma source(%arg6 : memref<128xf32, #tpu.memory_space<vmem>>) target(%dma_start3A_28 : memref<50176xf32, #tpu.memory_space<vmem_shared>>) offsets(%dma_start3A_26 : memref<128xi32, #tpu.memory_space<vmem>>) semaphore(%run_scoped3A_24 : memref<!tpu.dma_semaphore, #tpu.memory_space<semaphore_mem>>) {add = true}
      %dma_wait3A = arith.constant 0 : i32
      %dma_wait3A_29 = tpu.memref_slice %arg4[%run_scoped3A_17, %dma_wait3A] : memref<10x128xi32, #tpu.memory_space<vmem>> -> memref<1x128xi32, #tpu.memory_space<vmem>>
      %dma_wait3A_30 = tpu.memref_squeeze %dma_wait3A_29 : memref<1x128xi32, #tpu.memory_space<vmem>> -> memref<128xi32, #tpu.memory_space<vmem>>
      %dma_wait3A_31 = arith.constant 0 : i32
      %dma_wait3A_32 = tpu.memref_slice %arg7[%dma_wait3A_31] : memref<50176xf32, #tpu.memory_space<vmem_shared>> -> memref<50176xf32, #tpu.memory_space<vmem_shared>>
      tpu.wait_indirect_dma semaphore(%run_scoped3A_24 : memref<!tpu.dma_semaphore, #tpu.memory_space<semaphore_mem>>) src(%arg6 : memref<128xf32, #tpu.memory_space<vmem>>) dst(%dma_wait3A_32 : memref<50176xf32, #tpu.memory_space<vmem_shared>>)
      tpu.yield
    }) : () -> ()
    %run_scoped3A_18 = arith.constant 9 : i32
    "tpu.region"() ({
      %run_scoped3A_24 = tpu.sem_alloc : memref<!tpu.dma_semaphore, #tpu.memory_space<semaphore_mem>>
      %dma_start3A = arith.constant 0 : i32
      %dma_start3A_25 = tpu.memref_slice %arg4[%run_scoped3A_18, %dma_start3A] : memref<10x128xi32, #tpu.memory_space<vmem>> -> memref<1x128xi32, #tpu.memory_space<vmem>>
      %dma_start3A_26 = tpu.memref_squeeze %dma_start3A_25 : memref<1x128xi32, #tpu.memory_space<vmem>> -> memref<128xi32, #tpu.memory_space<vmem>>
      %dma_start3A_27 = arith.constant 0 : i32
      %dma_start3A_28 = tpu.memref_slice %arg7[%dma_start3A_27] : memref<50176xf32, #tpu.memory_space<vmem_shared>> -> memref<50176xf32, #tpu.memory_space<vmem_shared>>
      tpu.enqueue_indirect_dma source(%arg6 : memref<128xf32, #tpu.memory_space<vmem>>) target(%dma_start3A_28 : memref<50176xf32, #tpu.memory_space<vmem_shared>>) offsets(%dma_start3A_26 : memref<128xi32, #tpu.memory_space<vmem>>) semaphore(%run_scoped3A_24 : memref<!tpu.dma_semaphore, #tpu.memory_space<semaphore_mem>>) {add = true}
      %dma_wait3A = arith.constant 0 : i32
      %dma_wait3A_29 = tpu.memref_slice %arg4[%run_scoped3A_18, %dma_wait3A] : memref<10x128xi32, #tpu.memory_space<vmem>> -> memref<1x128xi32, #tpu.memory_space<vmem>>
      %dma_wait3A_30 = tpu.memref_squeeze %dma_wait3A_29 : memref<1x128xi32, #tpu.memory_space<vmem>> -> memref<128xi32, #tpu.memory_space<vmem>>
      %dma_wait3A_31 = arith.constant 0 : i32
      %dma_wait3A_32 = tpu.memref_slice %arg7[%dma_wait3A_31] : memref<50176xf32, #tpu.memory_space<vmem_shared>> -> memref<50176xf32, #tpu.memory_space<vmem_shared>>
      tpu.wait_indirect_dma semaphore(%run_scoped3A_24 : memref<!tpu.dma_semaphore, #tpu.memory_space<semaphore_mem>>) src(%arg6 : memref<128xf32, #tpu.memory_space<vmem>>) dst(%dma_wait3A_32 : memref<50176xf32, #tpu.memory_space<vmem_shared>>)
      tpu.yield
    }) : () -> ()
    %barrier3A_19 = arith.constant 0 : index
    tpu.barrier barrier_id(%barrier3A_19)
    %mul3A_20 = arith.constant 25088 : i32
    %mul3A_21 = arith.muli %arg0, %mul3A_20 : i32
    %mul3A_22 = arith.constant 1568 : i32
    %mul3A_23 = arith.muli %arg1, %mul3A_22 : i32
    %add3A = arith.addi %mul3A_21, %mul3A_23 : i32
    "tpu.region"() ({
      %run_scoped3A_24 = tpu.sem_alloc : memref<!tpu.dma_semaphore, #tpu.memory_space<semaphore_mem>>
      %dma_start3A = arith.constant 0 : i32
      %dma_start3A_25 = tpu.memref_slice %arg5[%dma_start3A] : memref<3136xf32, #tpu.memory_space<vmem>> -> memref<1568xf32, #tpu.memory_space<vmem>>
      %dma_start3A_26 = tpu.memref_slice %arg7[%add3A] : memref<50176xf32, #tpu.memory_space<vmem_shared>> -> memref<1568xf32, #tpu.memory_space<vmem_shared>>
      %dma_start3A_27 = arith.constant 0 : i32
      %dma_start3A_28 = tpu.memref_slice %arg5[%dma_start3A_27] : memref<3136xf32, #tpu.memory_space<vmem>> -> memref<1568xf32, #tpu.memory_space<vmem>>
      %dma_start3A_29 = tpu.memref_slice %arg7[%add3A] : memref<50176xf32, #tpu.memory_space<vmem_shared>> -> memref<1568xf32, #tpu.memory_space<vmem_shared>>
      tpu.enqueue_dma source(%dma_start3A_29 : memref<1568xf32, #tpu.memory_space<vmem_shared>>) target(%dma_start3A_28 : memref<1568xf32, #tpu.memory_space<vmem>>) target_semaphore(%run_scoped3A_24 : memref<!tpu.dma_semaphore, #tpu.memory_space<semaphore_mem>>)
      %dma_wait3A = arith.constant 0 : i32
      %dma_wait3A_30 = tpu.memref_slice %arg5[%dma_wait3A] : memref<3136xf32, #tpu.memory_space<vmem>> -> memref<1568xf32, #tpu.memory_space<vmem>>
      %dma_wait3A_31 = tpu.memref_slice %arg7[%add3A] : memref<50176xf32, #tpu.memory_space<vmem_shared>> -> memref<1568xf32, #tpu.memory_space<vmem_shared>>
      %dma_wait3A_32 = arith.constant 0 : i32
      %dma_wait3A_33 = tpu.memref_slice %arg5[%dma_wait3A_32] : memref<3136xf32, #tpu.memory_space<vmem>> -> memref<1568xf32, #tpu.memory_space<vmem>>
      %dma_wait3A_34 = tpu.memref_slice %arg7[%add3A] : memref<50176xf32, #tpu.memory_space<vmem_shared>> -> memref<1568xf32, #tpu.memory_space<vmem_shared>>
      tpu.wait_dma2 semaphore(%run_scoped3A_24 : memref<!tpu.dma_semaphore, #tpu.memory_space<semaphore_mem>>) src(%dma_wait3A_34 : memref<1568xf32, #tpu.memory_space<vmem_shared>>) dst(%dma_wait3A_33 : memref<1568xf32, #tpu.memory_space<vmem>>)
      tpu.yield
    }) : () -> ()
    "tpu.region"() ({
      %run_scoped3A_24 = tpu.sem_alloc : memref<!tpu.dma_semaphore, #tpu.memory_space<semaphore_mem>>
      %dma_start3A = arith.constant 0 : i32
      %dma_start3A_25 = tpu.memref_slice %arg5[%dma_start3A] : memref<3136xf32, #tpu.memory_space<vmem>> -> memref<1568xf32, #tpu.memory_space<vmem>>
      %dma_start3A_26 = tpu.memref_slice %arg3[%add3A] : memref<50176xf32, #tpu.memory_space<hbm>> -> memref<1568xf32, #tpu.memory_space<hbm>>
      %dma_start3A_27 = tpu.memref_slice %arg3[%add3A] : memref<50176xf32, #tpu.memory_space<hbm>> -> memref<1568xf32, #tpu.memory_space<hbm>>
      %dma_start3A_28 = arith.constant 0 : i32
      %dma_start3A_29 = tpu.memref_slice %arg5[%dma_start3A_28] : memref<3136xf32, #tpu.memory_space<vmem>> -> memref<1568xf32, #tpu.memory_space<vmem>>
      tpu.enqueue_dma source(%dma_start3A_29 : memref<1568xf32, #tpu.memory_space<vmem>>) target(%dma_start3A_27 : memref<1568xf32, #tpu.memory_space<hbm>>) target_semaphore(%run_scoped3A_24 : memref<!tpu.dma_semaphore, #tpu.memory_space<semaphore_mem>>)
      %dma_wait3A = arith.constant 0 : i32
      %dma_wait3A_30 = tpu.memref_slice %arg5[%dma_wait3A] : memref<3136xf32, #tpu.memory_space<vmem>> -> memref<1568xf32, #tpu.memory_space<vmem>>
      %dma_wait3A_31 = tpu.memref_slice %arg3[%add3A] : memref<50176xf32, #tpu.memory_space<hbm>> -> memref<1568xf32, #tpu.memory_space<hbm>>
      %dma_wait3A_32 = tpu.memref_slice %arg3[%add3A] : memref<50176xf32, #tpu.memory_space<hbm>> -> memref<1568xf32, #tpu.memory_space<hbm>>
      %dma_wait3A_33 = arith.constant 0 : i32
      %dma_wait3A_34 = tpu.memref_slice %arg5[%dma_wait3A_33] : memref<3136xf32, #tpu.memory_space<vmem>> -> memref<1568xf32, #tpu.memory_space<vmem>>
      tpu.wait_dma2 semaphore(%run_scoped3A_24 : memref<!tpu.dma_semaphore, #tpu.memory_space<semaphore_mem>>) src(%dma_wait3A_34 : memref<1568xf32, #tpu.memory_space<vmem>>) dst(%dma_wait3A_32 : memref<1568xf32, #tpu.memory_space<hbm>>)
      tpu.yield
    }) : () -> ()
    return
  }
}

module attributes {stable_mosaic.version = 14 : i64} {
  func.func @_tc_body(%arg0: i32, %arg1: memref<6272x256xf32, #tpu.memory_space<vmem>>, %arg2: memref<6272x1xf32, #tpu.memory_space<vmem>>, %arg3: memref<1x256xf32, #tpu.memory_space<vmem>>, %arg4: memref<6272x256xf32, #tpu.memory_space<vmem>>) attributes {dimension_semantics = [#tpu.dimension_semantics<arbitrary>], iteration_bounds = array<i64: 8>, scalar_prefetch = 0 : i64, scratch_operands = 0 : i64, tpu.core_type = #tpu.core_type<tc>, window_params = [{transform_indices = @transform_0, window_bounds = array<i64: 6272, 256>}, {transform_indices = @transform_1, window_bounds = array<i64: 6272, 1>}, {pipeline_mode = #tpu.pipeline_mode<synchronous>, transform_indices = @transform_2, window_bounds = array<i64: 1, 256>}, {transform_indices = @transform_3, window_bounds = array<i64: 6272, 256>}]} {
    %get3A = arith.constant 0 : index
    %get3A_0 = arith.constant 0 : index
    %get3A_1 = vector.load %arg1[%get3A, %get3A_0] : memref<6272x256xf32, #tpu.memory_space<vmem>>, vector<6272x256xf32>
    %get3A_2 = arith.constant 0 : index
    %get3A_3 = arith.constant 0 : index
    %get3A_4 = vector.load %arg2[%get3A_2, %get3A_3] : memref<6272x1xf32, #tpu.memory_space<vmem>>, vector<6272x1xf32>
    %get3A_5 = arith.constant 0 : index
    %get3A_6 = arith.constant 0 : index
    %get3A_7 = vector.load %arg3[%get3A_5, %get3A_6] : memref<1x256xf32, #tpu.memory_space<vmem>>, vector<1x256xf32>
    %min3A = arith.constant 1.000000e+00 : f32
    %min3A_8 = vector.broadcast %min3A : f32 to vector<6272x1xf32>
    %min3A_9 = arith.minimumf %get3A_4, %min3A_8 : vector<6272x1xf32>
    %mul3A = vector.broadcast %min3A_9 : vector<6272x1xf32> to vector<6272x256xf32>
    %mul3A_10 = vector.broadcast %get3A_7 : vector<1x256xf32> to vector<6272x256xf32>
    %mul3A_11 = arith.mulf %mul3A, %mul3A_10 : vector<6272x256xf32>
    %add3A = arith.addf %get3A_1, %mul3A_11 : vector<6272x256xf32>
    %min3A_12 = arith.constant 1.000000e+00 : f32
    %min3A_13 = vector.broadcast %min3A_12 : f32 to vector<6272x256xf32>
    %min3A_14 = arith.minimumf %add3A, %min3A_13 : vector<6272x256xf32>
    %swap3A = arith.constant 0 : index
    %swap3A_15 = arith.constant 0 : index
    %swap3A_16 = vector.load %arg4[%swap3A, %swap3A_15] : memref<6272x256xf32, #tpu.memory_space<vmem>>, vector<6272x256xf32>
    tpu.vector_store %arg4[%swap3A, %swap3A_15], %min3A_14 {strides = array<i32>} : memref<6272x256xf32, #tpu.memory_space<vmem>>, vector<6272x256xf32>,
    return
  }
  func.func @transform_0(%arg0: i32) -> (i32, i32) {
    %c0_i32 = arith.constant 0 : i32
    %c0_i32_0 = arith.constant 0 : i32
    return %arg0, %c0_i32 : i32, i32
  }
  func.func @transform_1(%arg0: i32) -> (i32, i32) {
    %c0_i32 = arith.constant 0 : i32
    %c0_i32_0 = arith.constant 0 : i32
    return %arg0, %c0_i32 : i32, i32
  }
  func.func @transform_2(%arg0: i32) -> (i32, i32) {
    %c0_i32 = arith.constant 0 : i32
    %c0_i32_0 = arith.constant 0 : i32
    %c0_i32_1 = arith.constant 0 : i32
    return %c0_i32, %c0_i32_0 : i32, i32
  }
  func.func @transform_3(%arg0: i32) -> (i32, i32) {
    %c0_i32 = arith.constant 0 : i32
    %c0_i32_0 = arith.constant 0 : i32
    return %arg0, %c0_i32 : i32, i32
  }
}

</mosaic_0001>

<sc_bundles>
// kernel: kernel.4.cloned.1.call-start
scs
__scs_entry_jumppad:
0x0: {  	(pc) =	sbr.rel $0x88, $3  }
0x1: {  	(tag) =	ssettag $0x0;
	lr =	simm.s32 $0x1  }
0x2: {  	[smem:$0x3F9E] =	sst lr;
	_ =	strace $0xD0000000  }
0x3: {  	_ = 	snop  }
0x4: {  	_ = 	snop  }
0x5: {  	_ = 	snop  }
0x6: {  	_ = 	snop  }
0x7: {  	_ = 	snop  }
__scs_overlays_trampoline_lowered:
0x8: {  	[smem:$0x3FAD] =	sst s0  }
0x9: {  	[smem:$0x3FAE] =	sst s1  }
0xa: {  	[smem:$0x3FAF] =	sst s2  }
0xb: {  	[smem:$0x3FB0] =	sst s3  }
0xc: {  	[smem:$0x3FB1] =	sst s4  }
0xd: {  	[smem:$0x3FB2] =	sst s5  }
0xe: {  	[smem:$0x3FB3] =	sst s6  }
0xf: {  	[smem:$0x3FB4] =	sst s7  }
0x10: {  	[smem:$0x3FB5] =	sst s8  }
0x11: {  	[smem:$0x3FB6] =	sst s9;
	s0 =	simm.s32 @!p0 $0x0  }
0x12: {  	s1 =	sld [smem:$0x3F9C];
	s0 =	simm.s32 @p0 $0x1  }
0x13: {  	[smem:$0x3FB7] =	sst s0;
	s0 =	simm.s32 @!p1 $0x0  }
0x14: {  	s2 =	sld [smem:$0x3F9B];
	s0 =	simm.s32 @p1 $0x1  }
0x15: {  	[smem:$0x3FB8] =	sst s0;
	s0 =	simm.s32 @!p2 $0x0  }
0x16: {  	s3 =	sld [smem:$0x3FDB];
	s0 =	simm.s32 @p2 $0x1  }
0x17: {  	s4 =	simm.s32 $0x1BF5;
	[smem:$0x3FBA] =	sst s0  }
0x18: {  	s0 =	sld [smem:$0x3F9D];
	_ =	swait.ge [sflag:s4], $0x0  }
0x19: {  	s7 =	sld [smem:$0x3F9E]  }
0x1a: {  	s8 =	sadd.s32 $0xFFFFE003, lr  }
0x1b: {  	s9 =	sadd.s32 $0xFFFFFEF7, lr;
	s5 =	simm.s32 $0xFFFFFFFF;
	p2 =	slt.u32 s8, $0xFFFFF086  }
0x1c: {  	p1 =	slt.u32 s9, $0xF7A;
	s5 =	simm.s32 @!p2 $0x0  }
0x1d: {  	s5 =	simm.s32 @p1 $0x1;
	p0 =	seq.s32 s7, s2  }
0x1e: {  	s7 =	smul.u32 @!p0 $0xF7A, s2;
	p2 =	seq.s32 @!p0 s5, $0x0  }
0x1f: {  	s9 =	smul.u32 $0xF7A, s1;
	s8 =	simm.s32 @!p0 $0x1BF5;
	p2 =	por !p2, p0  }
0x20: {  	[sflag:s8] =	ssyncset.s32 @!p0 $0xFFFFF086;
	s6 =	sadd.s32 @!p0 s3, s7;
	s7 =	simm.s32 @!p0 $0x108  }
0x21: {  	s3 =	sadd.s32 s3, s9;
	s6 =	sadd.s32 @!p0 $0x88, s6;
	s7 =	simm.s32 @p2 $0x1082  }
0x22: {  	[simem:s7], [sflag:s8] =	dma.local @!p0 [hbm:s6], $0xF7A  }
0x23: {  	s9 =	sor.u32 $0xD0000000, s2;
	s6 =	simm.s32 $0x108;
	_ =	swait.ge @!p0 [sflag:s8], $0x0  }
0x24: {  	s3 =	sadd.s32 $0x88, s3;
	s6 =	simm.s32 @!p1 $0x1082;
	[sflag:s4] =	ssyncset.s32 $0xFFFFF086  }
0x25: {  	[simem:s6], [sflag:s4] =	dma.local [hbm:s3], $0xF7A  }
0x26: {  	[smem:$0x3F9E] =	sst s1;
	(tag) =	ssettag s2;
	_ =	strace s9  }
0x27: {  	s1 =	sld [smem:$0x3FAE]  }
0x28: {  	s2 =	sld [smem:$0x3FAF]  }
0x29: {  	s4 =	sld [smem:$0x3FB1]  }
0x2a: {  	p0 =	seq.s32 s5, $0x0;
	s5 =	sld [smem:$0x3FB2]  }
0x2b: {  	s6 =	sld [smem:$0x3FB3]  }
0x2c: {  	s7 =	sld [smem:$0x3FB4]  }
0x2d: {  	s3 =	simm.s32 $0x108;
	s8 =	sld [smem:$0x3FB5]  }
0x2e: {  	s3 =	simm.s32 @!p0 $0x1082;
	s9 =	sld [smem:$0x3FB6]  }
0x2f: {  	lr =	sadd.s32 s0, s3;
	s0 =	sld [smem:$0x3FAD]  }
0x30: {  	s3 =	sld [smem:$0x3FB0]  }
0x31: {  	[smem:$0x3FB9] =	sst s10  }
0x32: {  	s10 =	sld [smem:$0x3FB7];
	_ =	sdelay $0x3  }
0x33: {  	p0 =	seq.s32 s10, $0x1;
	s10 =	sld [smem:$0x3FB9];
	_ =	sdelay $0x3  }
0x34: {  	[smem:$0x3FB9] =	sst s10  }
0x35: {  	s10 =	sld [smem:$0x3FB8];
	_ =	sdelay $0x3  }
0x36: {  	p1 =	seq.s32 s10, $0x1;
	s10 =	sld [smem:$0x3FB9];
	_ =	sdelay $0x3  }
0x37: {  	[smem:$0x3FB9] =	sst s10  }
0x38: {  	s10 =	sld [smem:$0x3FBA]  }
0x39: {  	_ = 	snop;
	(pc) =	sbr.ind lr, $3  }
0x3a: {  	_ = 	snop  }
0x3b: {  	_ = 	snop  }
0x3c: {  	p2 =	seq.s32 s10, $0x1;
	s10 =	sld [smem:$0x3FB9]  }
0x3d: {  	_ =	shalt  }
0x3e: {  	_ =	shalt  }
0x3f: {  	_ =	shalt  }
0x40: {  	_ =	shalt  }
0x41: {  	_ =	shalt  }
0x42: {  	_ =	shalt  }
0x43: {  	_ =	shalt  }
0x44: {  	_ =	shalt  }
0x45: {  	_ =	shalt  }
0x46: {  	_ =	shalt  }
0x47: {  	_ =	shalt  }
0x48: {  	_ =	shalt  }
0x49: {  	_ =	shalt  }
0x4a: {  	_ =	shalt  }
0x4b: {  	_ =	shalt  }
0x4c: {  	_ =	shalt  }
0x4d: {  	_ =	shalt  }
0x4e: {  	_ =	shalt  }
0x4f: {  	_ =	shalt  }
0x50: {  	_ =	shalt  }
0x51: {  	_ =	shalt  }
0x52: {  	_ =	shalt  }
0x53: {  	_ =	shalt  }
0x54: {  	_ =	shalt  }
0x55: {  	_ =	shalt  }
0x56: {  	_ =	shalt  }
0x57: {  	_ =	shalt  }
0x58: {  	_ =	shalt  }
0x59: {  	_ =	shalt  }
0x5a: {  	_ =	shalt  }
0x5b: {  	_ =	shalt  }
0x5c: {  	_ =	shalt  }
0x5d: {  	_ =	shalt  }
0x5e: {  	_ =	shalt  }
0x5f: {  	_ =	shalt  }
0x60: {  	_ =	shalt  }
0x61: {  	_ =	shalt  }
0x62: {  	_ =	shalt  }
0x63: {  	_ =	shalt  }
0x64: {  	_ =	shalt  }
0x65: {  	_ =	shalt  }
0x66: {  	_ =	shalt  }
0x67: {  	_ =	shalt  }
0x68: {  	_ =	shalt  }
0x69: {  	_ =	shalt  }
0x6a: {  	_ =	shalt  }
0x6b: {  	_ =	shalt  }
0x6c: {  	_ =	shalt  }
0x6d: {  	_ =	shalt  }
0x6e: {  	_ =	shalt  }
0x6f: {  	_ =	shalt  }
0x70: {  	_ =	shalt  }
0x71: {  	_ =	shalt  }
0x72: {  	_ =	shalt  }
0x73: {  	_ =	shalt  }
0x74: {  	_ =	shalt  }
0x75: {  	_ =	shalt  }
0x76: {  	_ =	shalt  }
0x77: {  	_ =	shalt  }
0x78: {  	_ =	shalt  }
0x79: {  	_ =	shalt  }
0x7a: {  	_ =	shalt  }
0x7b: {  	_ =	shalt  }
0x7c: {  	_ =	shalt  }
0x7d: {  	_ =	shalt  }
0x7e: {  	_ =	shalt  }
0x7f: {  	_ =	shalt  }
0x80: {  	_ =	shalt  }
0x81: {  	_ =	shalt  }
0x82: {  	_ =	shalt  }
0x83: {  	_ =	shalt  }
0x84: {  	_ =	shalt  }
0x85: {  	_ =	shalt  }
0x86: {  	_ =	shalt  }
0x87: {  	_ =	shalt  }
.Lfunc_end0:
.L_simem_size_0:
called_computation_lowered:
.L_overlay_start_0:
0x88: {  	s2 =	sld [smem:$0x3FD9]  }
0x89: {  	s3 =	sld [smem:$0x3FFE];
	_ =	sdelay $0x1  }
0x8a: {  	s1 =	srdreg.scid  }
0x8b: {  	s0 =	sand.u32 $0x1, s1  }
0x8c: {  	s17 =	sshll.u32 s0, $0xA;
	s2 =	sadd.s32 s3, s2  }
0x8d: {  	s2 =	sadd.s32 s2, s17  }
0x8e: {  	[smem:$0x3FC5] =	sst s2  }
0x8f: {  	_ = 	snop  }
0x90: {  	s2 =	sld [smem:$0x3FD0];
	(tm) =	ssettm $0x1  }
0x91: {  	s18 =	sld [smem:$0x3FFB];
	_ =	sdelay $0x3  }
0x92: {  	_ =	strace s18  }
0x93: {  	s3 =	sld [smem:$0x3FFC];
	_ =	sdelay $0x3  }
0x94: {  	_ =	strace s3  }
0x95: {  	s3 =	sld [smem:$0x3FFD];
	_ =	sdelay $0x3  }
0x96: {  	_ =	strace s3  }
0x97: {  	_ =	strace $0x8FFFFFFF  }
0x98: {  	s19 =	sld [smem:$0x3FDB];
	_ =	sdelay $0x1  }
0x99: {  	s4 =	simm.s32 $_scs_section_size  }
0x9a: {  	s5 =	simm.s32 $_size__tile_overlayer_lowered;
	s6 =	simm.s32 $_tile_overlayer_lowered  }
0x9b: {  	s22 =	simm.s32 $0x1BFF;
	s21 =	sshll.u32 s6, $0x1;
	s3 =	sadd.s32 s4, s19  }
0x9c: {  	s7 =	simm.s32 $0x0;
	s20 =	sshll.u32 s5, $0x1;
	s5 =	sadd.s32 s21, s3  }
0x9d: {  	[timem:s7], [sflag:s22] =	dma.local [hbm:s5], s20  }
0x9e: {  	_ =	swait.ge [sflag:s22], s20  }
0x9f: {  	s4 =	ssub.s32 $0x0, s20;
	[sflag:s22] =	ssyncset.done $0x0  }
0xa0: {  	[sflag:s22] =	ssyncadd.s32 s4;
	_ =	sdelay $0x1  }
0xa1: {  	s23 =	simm.s32 $0x1B8B  }
0xa2: {  	_ =	swait.ge [sflag:s23], $0x1  }
0xa3: {  	[sflag:s23] =	ssyncset.done $0x0  }
0xa4: {  	s25 =	simm.s32 $0x1B8E;
	s24 =	sld [smem:$0x3FFE];
	[sflag:s23] =	ssyncadd.s32 $0xFFFFFFFF  }
0xa5: {  	s26 =	simm.s32 $execute0_lowered;
	[smem:$0x3FD2] =	sst s25  }
0xa6: {  	s5 =	sshll.u32 s26, $0x1;
	_ =	strace $0x80000046;
	[dreg:$0x1] =	wrdreg $0xFFFFFFFF  }
0xa7: {  	s28 =	simm.s32 $_size_execute0_lowered;
	s3 =	sadd.s32 s3, s5;
	[dreg:$0x0] =	wrdreg $0x0  }
0xa8: {  	s5 =	sshll.u32 s28, $0x1;
	[dreg:$0x2] =	wrdreg s3  }
0xa9: {  	[dreg:$0x3] =	wrdreg s5  }
0xaa: {  	[dreg:$0x4] =	wrdreg $0xC0  }
0xab: {  	_ =	task [dreg:s7], $0x5FFFF  }
0xac: {  	[dreg:$0x1] =	wrdreg $0xFFFFFFFF  }
0xad: {  	[dreg:$0x0] =	wrdreg $0x60  }
0xae: {  	[dreg:$0x2] =	wrdreg s24  }
0xaf: {  	[dreg:$0x3] =	wrdreg s2  }
0xb0: {  	[dreg:$0x4] =	wrdreg $0x15000  }
0xb1: {  	[dreg:$0x5] =	wrdreg $0x9  }
0xb2: {  	_ =	task.clear_ibuf [dreg:s7], $0x6FFFF;
	_ =	strace $0x90000046  }
0xb3: {  	s29 =	simm.s32 $0x9;
	_ =	strace $0x80000048  }
0xb4: {  	_ =	swait.ge [sflag:s29], $0x1  }
0xb5: {  	[sflag:s29] =	ssyncadd.s32 $0xFFFFFFFF  }
0xb6: {  	_ =	strace $0x90000048  }
0xb7: {  	_ =	sfence  }
0xb8: {  	s30 =	sld [smem:$0x0];
	_ =	sdelay $0x2  }
0xb9: {  	s31 =	sshll.u32 s1, $0xD;
	s1 =	sshrl.u32 s1, $0x2  }
0xba: {  	s3 =	sand.u32 $0x4000, s31;
	s1 =	sadd.s32 s1, s30  }
0xbb: {  	s0 =	sor.u32 s3, s0;
	s1 =	sshll.u32 s1, $0x11  }
0xbc: {  	s0 =	sor.u32 s1, s0  }
0xbd: {  	s0 =	sadd.s32 $0x8F2B, s0  }
0xbe: {  	[sflag:s0] =	ssyncadd.remote.s32 $0x1  }
0xbf: {  	_ =	sfence.sel $0xFFFF  }
0xc0: {  	[dreg:$0x0] =	wrdreg $0xFFFFFFFF;
	(pc) =	sbr.abs _section_cstart, $3  }
0xc1: {  	[dreg:$0x1] =	wrdreg $0xFFFFFFFF  }
0xc2: {  	_ =	task.clear_ibuf [dreg:s7], $0x2FFFF;
	_ =	strace $0x9FFFFFFF  }
0xc3: {  	(tm) =	ssettm $0x7FFFFFFF  }
tec
execute0_lowered:
.L_overlay_start_1:
0x0: {  	(tag) =	ssettag $0x1  }
0x1: {  	s4 =	rddreg [dreg:$0x0]  }
0x2: {  	s7 =	rddreg [dreg:$0x1]  }
0x3: {  	s2 =	rddreg [dreg:$0x2]  }
0x4: {  	s0 =	rddreg [dreg:$0x3];
	s3 =	simm.s32 $0x0;
	s1 =	stileid.u32  }
0x5: {  	s5 =	srdreg.scid;
	s12 =	simm.s32 $0x1480;
	s13 =	simm.s32 $0x100  }
0x6: {  	s14 =	simm.s32 $0x180;
	s15 =	simm.s32 $0x200;
	s16 =	simm.s32 $0x280  }
0x7: {  	s17 =	simm.s32 $0x300;
	s18 =	simm.s32 $0x380;
	s19 =	simm.s32 $0x400  }
0x8: {  	s20 =	simm.s32 $0x480;
	s21 =	simm.s32 $0x0;
	s6 =	smul.u32 $0x3100, s1  }
0x9: {  	[smem:$0x7FF] =	sst s3;
	s5 =	sand.u32 $0x1, s5;
	s10 =	smul.u32 $0x620, s1  }
0xa: {  	s9 =	sshll.u32 s1, $0x8;
	s8 =	smul.u32 $0x6200, s5;
	s5 =	ssub.s32 $0x2, s5  }
0xb: {  	_ =	strace $0x80000047;
	s31 =	sshrl.u32 s5, $0x1;
	s6 =	sshrl.u32 s6, $0x2  }
0xc: {  	s9 =	sadd.s32 s9, s4;
	s11 =	ssub.s32 s5, s31;
	s4 =	sadd.s32 s6, s2  }
0xd: {  	s8 =	sadd.s32 s10, s8;
	s5 =	sadd.s32 $0x400, s9;
	s9 =	simm.s32 $0x800  }
0xe: {  	s10 =	simm.s32 $0x1;
	s6 =	sadd.s32 s8, s2;
	s8 =	sshrl.u32 s8, $0x3  }
0xf: {  	v0 =	vimm.f32 $0.0e+00;
	v1 =	vimm.f32 $1.000000000e+00;
	s7 =	sadd.s32 s7, s8;
	s8 =	smax.u32 s11, $0x1;
	s11 =	simm.s32 $0x80  }
.LBB2_1:
0x10: {  	s22 =	simm.s32 $0x40;
	s23 =	simm.s32 $0x0  }
.LBB2_2:
0x11: {  	p0 =	sne.s32 s22, $0x30C0;
	[tilespmem:s23+$0x800] =	vst v0;
	s23 =	smov.u32 s22;
	s22 =	sadd.s32 $0x40, s22  }
.Ltmp0:
0x12: {  	(pc) =	sbr.rel @p0 .LBB2_2-.Ltmp0, $2  }
0x13: {  	_ =	sdelay $0x2  }
0x14: {  	s23 =	sshra.s32 s23, $0x2  }
0x15: {  	[tilespmem:s23+$0x800] =	vst v0  }
0x16: {  	[tilespmem:$0x1480] =	vst v1  }
0x17: {  	[tilespmem:$0x1490] =	vst v1  }
0x18: {  	[tilespmem:$0x14A0] =	vst v1  }
0x19: {  	[tilespmem:$0x14B0] =	vst v1  }
0x1a: {  	[tilespmem:$0x14C0] =	vst v1  }
0x1b: {  	[tilespmem:$0x14D0] =	vst v1  }
0x1c: {  	[tilespmem:$0x14E0] =	vst v1  }
0x1d: {  	[tilespmem:$0x14F0] =	vst v1  }
0x1e: {  	[spmem:s4] =	stream.linear.scatter [tilespmem:s9], [sflag:$0x1], $0xC40, $0x38;
	[tilespmem:$0x2140] =	vst v63  }
0x1f: {  	_ =	swait.ge [sflag:s10], $0xC40  }
0x20: {  	[sflag:s10] =	ssyncset.done $0x0  }
0x21: {  	[sflag:s10] =	ssyncadd.s32 $0xFFFFF3C0  }
0x22: {  	[tilespmem:s3], [sflag:$0x1] =	stream.linear.gather [hbm4b:s5+s3], $0x500, $0x38;
	[tilespmem:$0x2140] =	vst v63  }
0x23: {  	_ =	swait.ge [sflag:s10], $0x500  }
0x24: {  	[sflag:s10] =	ssyncset.done $0x0  }
0x25: {  	[sflag:s10] =	ssyncadd.s32 $0xFFFFFB00  }
0x26: {  	[bflag:$0x0] =	sbarrier.arrive $0xFFFF  }
0x27: {  	[spmem:s2] =	stream.indirect.scatter.add.f32 [tilespmem:s12], [sflag:$0x1], $0x1, s3, s11, $0xb8;
	[tilespmem:$0x2140] =	vst v63  }
0x28: {  	_ =	swait.ge [sflag:s10], $0x80  }
0x29: {  	[sflag:s10] =	ssyncset.done $0x0  }
0x2a: {  	[sflag:s10] =	ssyncadd.s32 $0xFFFFFF80  }
0x2b: {  	[spmem:s2] =	stream.indirect.scatter.add.f32 [tilespmem:s12], [sflag:$0x1], $0x1, s11, s11, $0xb8;
	[tilespmem:$0x2140] =	vst v63  }
0x2c: {  	_ =	swait.ge [sflag:s10], $0x80  }
0x2d: {  	[sflag:s10] =	ssyncset.done $0x0  }
0x2e: {  	[sflag:s10] =	ssyncadd.s32 $0xFFFFFF80  }
0x2f: {  	[spmem:s2] =	stream.indirect.scatter.add.f32 [tilespmem:s12], [sflag:$0x1], $0x1, s13, s11, $0xb8;
	[tilespmem:$0x2140] =	vst v63  }
0x30: {  	_ =	swait.ge [sflag:s10], $0x80  }
0x31: {  	[sflag:s10] =	ssyncset.done $0x0  }
0x32: {  	[sflag:s10] =	ssyncadd.s32 $0xFFFFFF80  }
0x33: {  	[spmem:s2] =	stream.indirect.scatter.add.f32 [tilespmem:s12], [sflag:$0x1], $0x1, s14, s11, $0xb8;
	[tilespmem:$0x2140] =	vst v63  }
0x34: {  	_ =	swait.ge [sflag:s10], $0x80  }
0x35: {  	[sflag:s10] =	ssyncset.done $0x0  }
0x36: {  	[sflag:s10] =	ssyncadd.s32 $0xFFFFFF80  }
0x37: {  	[spmem:s2] =	stream.indirect.scatter.add.f32 [tilespmem:s12], [sflag:$0x1], $0x1, s15, s11, $0xb8;
	[tilespmem:$0x2140] =	vst v63  }
0x38: {  	_ =	swait.ge [sflag:s10], $0x80  }
0x39: {  	[sflag:s10] =	ssyncset.done $0x0  }
0x3a: {  	[sflag:s10] =	ssyncadd.s32 $0xFFFFFF80  }
0x3b: {  	[spmem:s2] =	stream.indirect.scatter.add.f32 [tilespmem:s12], [sflag:$0x1], $0x1, s16, s11, $0xb8;
	[tilespmem:$0x2140] =	vst v63  }
0x3c: {  	_ =	swait.ge [sflag:s10], $0x80  }
0x3d: {  	[sflag:s10] =	ssyncset.done $0x0  }
0x3e: {  	[sflag:s10] =	ssyncadd.s32 $0xFFFFFF80  }
0x3f: {  	[spmem:s2] =	stream.indirect.scatter.add.f32 [tilespmem:s12], [sflag:$0x1], $0x1, s17, s11, $0xb8;
	[tilespmem:$0x2140] =	vst v63  }
0x40: {  	_ =	swait.ge [sflag:s10], $0x80  }
0x41: {  	[sflag:s10] =	ssyncset.done $0x0  }
0x42: {  	[sflag:s10] =	ssyncadd.s32 $0xFFFFFF80  }
0x43: {  	[spmem:s2] =	stream.indirect.scatter.add.f32 [tilespmem:s12], [sflag:$0x1], $0x1, s18, s11, $0xb8;
	[tilespmem:$0x2140] =	vst v63  }
0x44: {  	_ =	swait.ge [sflag:s10], $0x80  }
0x45: {  	[sflag:s10] =	ssyncset.done $0x0  }
0x46: {  	[sflag:s10] =	ssyncadd.s32 $0xFFFFFF80  }
0x47: {  	[spmem:s2] =	stream.indirect.scatter.add.f32 [tilespmem:s12], [sflag:$0x1], $0x1, s19, s11, $0xb8;
	[tilespmem:$0x2140] =	vst v63  }
0x48: {  	_ =	swait.ge [sflag:s10], $0x80  }
0x49: {  	[sflag:s10] =	ssyncset.done $0x0  }
0x4a: {  	[sflag:s10] =	ssyncadd.s32 $0xFFFFFF80  }
0x4b: {  	[spmem:s2] =	stream.indirect.scatter.add.f32 [tilespmem:s12], [sflag:$0x1], $0x1, s20, s11, $0xb8;
	[tilespmem:$0x2140] =	vst v63  }
0x4c: {  	_ =	swait.ge [sflag:s10], $0x80  }
0x4d: {  	[sflag:s10] =	ssyncset.done $0x0  }
0x4e: {  	[sflag:s10] =	ssyncadd.s32 $0xFFFFFF80  }
0x4f: {  	[bflag:$0x0] =	sbarrier.arrive $0xFFFF  }
0x50: {  	[tilespmem:s9], [sflag:$0x1] =	stream.linear.gather [spmem:s6], $0x620, $0x38;
	[tilespmem:$0x2140] =	vst v63  }
0x51: {  	s21 =	sadd.s32 $0x1, s21;
	_ =	swait.ge [sflag:s10], $0x620  }
0x52: {  	p0 =	sne.s32 s21, s8;
	[sflag:s10] =	ssyncset.done $0x0  }
.Ltmp1:
0x53: {  	[sflag:s10] =	ssyncadd.s32 $0xFFFFF9E0;
	(pc) =	sbr.rel @p0 .LBB2_1-.Ltmp1, $4  }
0x54: {  	[hbm4b:s7+s3] =	stream.linear.scatter [tilespmem:s9], [sflag:$0x1], $0x620, $0x38;
	[tilespmem:$0x2140] =	vst v63  }
0x55: {  	_ =	swait.ge [sflag:s10], $0x620  }
0x56: {  	[sflag:s10] =	ssyncset.done $0x0  }
0x57: {  	[sflag:s10] =	ssyncadd.s32 $0xFFFFF9E0  }
0x58: {  	_ =	sfence.sel $0x180000  }
0x59: {  	[bflag:$0x0] =	sbarrier.arrive $0xFFFF  }
0x5a: {  	p0 =	sne.s32 s1, $0x0;
	_ =	strace $0x90000047  }
0x5b: {  	s0 =	sadd.s32 @!p0 $0x100000, s0;
	[bflag:$0x2] =	sbarrier.arrive $0xFFFF  }
0x5c: {  	[sflag:s0] =	ssyncadd.tile.s32 @!p0 $0x1;
	_ =	shalt  }
.Lfunc_end2:
_tile_overlayer_lowered:
.L_overlay_start_2:
0x5d: {  	(tag) =	ssettag $0x2  }
0x5e: {  	s0 =	rddreg [dreg:$0x0];
	s2 =	stileid.u32  }
0x5f: {  	s1 =	rddreg [dreg:$0x1];
	p0 =	sne.s32 s2, $0x0  }
0x60: {  	s3 =	rddreg [dreg:$0x2];
	[bflag:$0x3] =	sbarrier.arrive $0xFFFF;
	s2 =	simm.s32 @!p0 $0x1C01  }
0x61: {  	[timem:s3], [sflag:s2] =	dma.local @!p0 [hbm:s0], s1  }
0x62: {  	s0 =	simm.s32 @!p0 $0x1  }
0x63: {  	_ =	swait.ge @!p0 [sflag:s0], s1  }
0x64: {  	s1 =	ssub.s32 @!p0 $0x0, s1;
	[sflag:s0] =	ssyncset.done @!p0 $0x0  }
0x65: {  	[sflag:s0] =	ssyncadd.s32 @!p0 s1  }
0x66: {  	[bflag:$0x3] =	sbarrier.arrive $0xFFFF  }
0x67: {  	_ =	shalt  }

</sc_bundles>
